<compile_context>
chip_gen: v7x
topology: tpu7x:2x2x1
jax: 0.10.2.dev20260603
libtpu: 0.0.44.dev20260713+nightly
codegen_flags: <defaults>
</compile_context>

<pallas_src>
import functools

import jax
import jax.numpy as jnp
import numpy as np
from jax import lax
from jax.experimental import pallas as pl
from jax.experimental.pallas import tpu as pltpu, tpu_sc as plsc

_L = 16
_I32_MIN = np.int32(-2147483648)


def _build(B, S, D):
    chunks = S // _L
    mesh = plsc.VectorSubcoreMesh(core_axis_name="c", subcore_axis_name="s",
                                  num_cores=1, num_subcores=B)

    @functools.partial(
        pl.kernel,
        out_type=jax.ShapeDtypeStruct((B, _L), jnp.float32),
        mesh=mesh,
        scratch_types=[
            pltpu.VMEM((S,), jnp.int32),
            pltpu.VMEM((128,), jnp.float32),
            pltpu.VMEM((_L,), jnp.float32),
        ],
        compiler_params=pltpu.CompilerParams(
            needs_layout_passes=False,
            disable_bounds_checks=True,
            disable_semaphore_checks=True,
            skip_device_barrier=True,
        ),
    )
    def sc_kernel(lhs_hbm, ids_hbm, out_hbm, ids_v, win_v, outv_v):
        cid = lax.axis_index("c")
        sid = lax.axis_index("s")
        iota = lax.broadcasted_iota(jnp.int32, (_L,), 0)

        @pl.when(jnp.logical_and(cid == 0, sid < B))
        def _():
            b = sid
            pltpu.sync_copy(ids_hbm.at[b], ids_v)
            unroll = 8

            def body(c, carry):
                acc, inv = carry
                for u in range(unroll):
                    v = ids_v[pl.ds((c * unroll + u) * _L, _L)]
                    acc = jnp.maximum(acc, (v << 11) | inv)
                    inv = inv - _L
                return acc, inv

            acc, _ = lax.fori_loop(
                0, chunks // unroll, body,
                (jnp.full((_L,), _I32_MIN, jnp.int32), (S - 1) - iota))
            k = jnp.max(acc)
            idx = (S - 1) - (k & (S - 1))
            cs = (idx // 128) * 128
            pltpu.sync_copy(lhs_hbm.at[b, idx, pl.ds(cs, 128)], win_v)
            c16 = ((idx % 128) // _L) * _L
            lane = idx % _L
            w16 = win_v[pl.ds(c16, _L)]
            val = jnp.sum(jnp.where(iota == lane, w16, 0.0))
            outv_v[...] = jnp.zeros((_L,), jnp.float32) + val * val
            pltpu.sync_copy(outv_v, out_hbm.at[b])

    return sc_kernel


def kernel(last_hidden_state, input_ids):
    B, S, D = last_hidden_state.shape
    out = _build(B, S, D)(last_hidden_state, input_ids.astype(jnp.int32))
    return out[:, 0]

# --- scband reference (transcript-rebuilt; emitter-appended) ---
"""Pipeline reference for scband-clip-argmax-sandwich-23227183137107 (READ-ONLY COPY).

The authoritative reference and input builder live on the scoring server;
editing this copy changes nothing except your own understanding.
"""

import jax, jax.numpy as jnp
import numpy as np


def setup_inputs(seed: int = 0) -> dict:
    key = jax.random.key(seed)
    k1, k2 = jax.random.split(key)
    last_hidden_state = jax.random.normal(k1, (4, 2048, 2048), dtype=jnp.float32)
    input_ids = jax.random.randint(k2, (4, 2048), 0, 49408, dtype=jnp.int64 if jax.config.jax_enable_x64 else jnp.int32).astype(jnp.int32)
    return {"last_hidden_state": last_hidden_state, "input_ids": input_ids}


def reference(last_hidden_state, input_ids):
    B = last_hidden_state.shape[0]
    idx = jnp.argmax(input_ids, axis=-1)
    # first gather: [B, S, D] -> [B, D]
    pooled_output = last_hidden_state[jnp.arange(B), idx]
    # elementwise square
    pooled_output = pooled_output * pooled_output
    # second gather: [B, D] indexed at (arange(B), idx) -> [B]
    pooled_output = pooled_output[jnp.arange(B), idx]
    return pooled_output

if __name__ == "__main__":
    import jax
    _d = setup_inputs()
    print(jax.jit(kernel)(*tuple(_d.values())))

</pallas_src>

<mosaic_0001>
#map = affine_map<(d0, d1) -> (0, 0, 0)>
#map1 = affine_map<(d0, d1) -> (0, 0)>
module attributes {stable_mosaic.version = 14 : i64} {
  func.func @sc_kernel(%arg0: i32, %arg1: i32, %arg2: memref<4x2048x2048xf32, #tpu.memory_space<hbm>>, %arg3: memref<4x2048xi32, #tpu.memory_space<hbm>>, %arg4: memref<4x16xf32, #tpu.memory_space<hbm>>, %arg5: memref<2048xi32, #tpu.memory_space<vmem>>, %arg6: memref<128xf32, #tpu.memory_space<vmem>>, %arg7: memref<16xf32, #tpu.memory_space<vmem>>) attributes {dimension_semantics = [#tpu.dimension_semantics<core_parallel>, #tpu.dimension_semantics<subcore_parallel>], iteration_bounds = array<i64: 1, 4>, scalar_prefetch = 0 : i64, scratch_operands = 3 : i64, tpu.core_type = #tpu.core_type<sc_vector_subcore>, window_params = [{transform_indices = #map}, {transform_indices = #map1}, {transform_indices = #map1}]} {
    %iota3A = tpu.iota {dimensions = array<i32: 0>} : vector<16xi32>
    %eq3A = arith.constant 0 : i32
    %eq3A_0 = arith.cmpi eq, %arg0, %eq3A : i32
    %lt3A = arith.constant 4 : i32
    %lt3A_1 = arith.cmpi slt, %arg1, %lt3A : i32
    %and3A = arith.andi %eq3A_0, %lt3A_1 : i1
    %convert_element_type3A = arith.extui %and3A : i1 to i32
    %cond3A = arith.constant 0 : i32
    %cond3A_2 = arith.cmpi ne, %convert_element_type3A, %cond3A : i32
    scf.if %cond3A_2 {
      "tpu.region"() ({
        %run_scoped3A = tpu.sem_alloc : memref<!tpu.dma_semaphore, #tpu.memory_space<semaphore_mem>>
        %dma_start3A = arith.constant 0 : i32
        %dma_start3A_113 = tpu.memref_slice %arg3[%arg1, %dma_start3A] : memref<4x2048xi32, #tpu.memory_space<hbm>> -> memref<1x2048xi32, #tpu.memory_space<hbm>>
        %dma_start3A_114 = tpu.memref_squeeze %dma_start3A_113 : memref<1x2048xi32, #tpu.memory_space<hbm>> -> memref<2048xi32, #tpu.memory_space<hbm>>
        %dma_start3A_115 = arith.constant 0 : i32
        %dma_start3A_116 = tpu.memref_slice %arg3[%arg1, %dma_start3A_115] : memref<4x2048xi32, #tpu.memory_space<hbm>> -> memref<1x2048xi32, #tpu.memory_space<hbm>>
        %dma_start3A_117 = tpu.memref_squeeze %dma_start3A_116 : memref<1x2048xi32, #tpu.memory_space<hbm>> -> memref<2048xi32, #tpu.memory_space<hbm>>
        tpu.enqueue_dma source(%dma_start3A_117 : memref<2048xi32, #tpu.memory_space<hbm>>) target(%arg5 : memref<2048xi32, #tpu.memory_space<vmem>>) target_semaphore(%run_scoped3A : memref<!tpu.dma_semaphore, #tpu.memory_space<semaphore_mem>>)
        %dma_wait3A = arith.constant 0 : i32
        %dma_wait3A_118 = tpu.memref_slice %arg3[%arg1, %dma_wait3A] : memref<4x2048xi32, #tpu.memory_space<hbm>> -> memref<1x2048xi32, #tpu.memory_space<hbm>>
        %dma_wait3A_119 = tpu.memref_squeeze %dma_wait3A_118 : memref<1x2048xi32, #tpu.memory_space<hbm>> -> memref<2048xi32, #tpu.memory_space<hbm>>
        %dma_wait3A_120 = arith.constant 0 : i32
        %dma_wait3A_121 = tpu.memref_slice %arg3[%arg1, %dma_wait3A_120] : memref<4x2048xi32, #tpu.memory_space<hbm>> -> memref<1x2048xi32, #tpu.memory_space<hbm>>
        %dma_wait3A_122 = tpu.memref_squeeze %dma_wait3A_121 : memref<1x2048xi32, #tpu.memory_space<hbm>> -> memref<2048xi32, #tpu.memory_space<hbm>>
        tpu.wait_dma2 semaphore(%run_scoped3A : memref<!tpu.dma_semaphore, #tpu.memory_space<semaphore_mem>>) src(%dma_wait3A_122 : memref<2048xi32, #tpu.memory_space<hbm>>) dst(%arg5 : memref<2048xi32, #tpu.memory_space<vmem>>)
        tpu.yield
      }) : () -> ()
      %broadcast_in_dim3A = arith.constant -2147483648 : i32
      %broadcast_in_dim3A_3 = vector.broadcast %broadcast_in_dim3A : i32 to vector<16xi32>
      %sub3A = arith.constant 2047 : i32
      %sub3A_4 = vector.broadcast %sub3A : i32 to vector<16xi32>
      %sub3A_5 = arith.subi %sub3A_4, %iota3A : vector<16xi32>
      %scan3A = arith.constant 0 : i32
      %scan3A_6 = arith.constant 16 : i32
      %scan3A_7 = arith.addi %scan3A, %scan3A_6 : i32
      %scan3A_8 = arith.constant 1 : i32
      %scan3A_9:2 = scf.for %scan3A_113 = %scan3A to %scan3A_7 step %scan3A_8 iter_args(%scan3A_114 = %broadcast_in_dim3A_3, %scan3A_115 = %sub3A_5) -> (vector<16xi32>, vector<16xi32>)  : i32 {
        %mul3A_116 = arith.constant 8 : i32
        %mul3A_117 = arith.muli %scan3A_113, %mul3A_116 : i32
        %add3A_118 = arith.constant 0 : i32
        %add3A_119 = arith.addi %mul3A_117, %add3A_118 : i32
        %mul3A_120 = arith.constant 16 : i32
        %mul3A_121 = arith.muli %add3A_119, %mul3A_120 : i32
        %get3A_122 = arith.index_cast %mul3A_121 : i32 to index
        %get3A_123 = tpu.vector_load %arg5[%get3A_122] {strides = array<i32>} : memref<2048xi32, #tpu.memory_space<vmem>>, vector<16xi32>,
        %shift_left3A = arith.constant 11 : i32
        %shift_left3A_124 = vector.broadcast %shift_left3A : i32 to vector<16xi32>
        %shift_left3A_125 = arith.shli %get3A_123, %shift_left3A_124 : vector<16xi32>
        %or3A = arith.ori %shift_left3A_125, %scan3A_115 : vector<16xi32>
        %max3A = arith.maxsi %scan3A_114, %or3A : vector<16xi32>
        %sub3A_126 = arith.constant 16 : i32
        %sub3A_127 = vector.broadcast %sub3A_126 : i32 to vector<16xi32>
        %sub3A_128 = arith.subi %scan3A_115, %sub3A_127 : vector<16xi32>
        %mul3A_129 = arith.constant 8 : i32
        %mul3A_130 = arith.muli %scan3A_113, %mul3A_129 : i32
        %add3A_131 = arith.constant 1 : i32
        %add3A_132 = arith.addi %mul3A_130, %add3A_131 : i32
        %mul3A_133 = arith.constant 16 : i32
        %mul3A_134 = arith.muli %add3A_132, %mul3A_133 : i32
        %get3A_135 = arith.index_cast %mul3A_134 : i32 to index
        %get3A_136 = tpu.vector_load %arg5[%get3A_135] {strides = array<i32>} : memref<2048xi32, #tpu.memory_space<vmem>>, vector<16xi32>,
        %shift_left3A_137 = arith.constant 11 : i32
        %shift_left3A_138 = vector.broadcast %shift_left3A_137 : i32 to vector<16xi32>
        %shift_left3A_139 = arith.shli %get3A_136, %shift_left3A_138 : vector<16xi32>
        %or3A_140 = arith.ori %shift_left3A_139, %sub3A_128 : vector<16xi32>
        %max3A_141 = arith.maxsi %max3A, %or3A_140 : vector<16xi32>
        %sub3A_142 = arith.constant 16 : i32
        %sub3A_143 = vector.broadcast %sub3A_142 : i32 to vector<16xi32>
        %sub3A_144 = arith.subi %sub3A_128, %sub3A_143 : vector<16xi32>
        %mul3A_145 = arith.constant 8 : i32
        %mul3A_146 = arith.muli %scan3A_113, %mul3A_145 : i32
        %add3A_147 = arith.constant 2 : i32
        %add3A_148 = arith.addi %mul3A_146, %add3A_147 : i32
        %mul3A_149 = arith.constant 16 : i32
        %mul3A_150 = arith.muli %add3A_148, %mul3A_149 : i32
        %get3A_151 = arith.index_cast %mul3A_150 : i32 to index
        %get3A_152 = tpu.vector_load %arg5[%get3A_151] {strides = array<i32>} : memref<2048xi32, #tpu.memory_space<vmem>>, vector<16xi32>,
        %shift_left3A_153 = arith.constant 11 : i32
        %shift_left3A_154 = vector.broadcast %shift_left3A_153 : i32 to vector<16xi32>
        %shift_left3A_155 = arith.shli %get3A_152, %shift_left3A_154 : vector<16xi32>
        %or3A_156 = arith.ori %shift_left3A_155, %sub3A_144 : vector<16xi32>
        %max3A_157 = arith.maxsi %max3A_141, %or3A_156 : vector<16xi32>
        %sub3A_158 = arith.constant 16 : i32
        %sub3A_159 = vector.broadcast %sub3A_158 : i32 to vector<16xi32>
        %sub3A_160 = arith.subi %sub3A_144, %sub3A_159 : vector<16xi32>
        %mul3A_161 = arith.constant 8 : i32
        %mul3A_162 = arith.muli %scan3A_113, %mul3A_161 : i32
        %add3A_163 = arith.constant 3 : i32
        %add3A_164 = arith.addi %mul3A_162, %add3A_163 : i32
        %mul3A_165 = arith.constant 16 : i32
        %mul3A_166 = arith.muli %add3A_164, %mul3A_165 : i32
        %get3A_167 = arith.index_cast %mul3A_166 : i32 to index
        %get3A_168 = tpu.vector_load %arg5[%get3A_167] {strides = array<i32>} : memref<2048xi32, #tpu.memory_space<vmem>>, vector<16xi32>,
        %shift_left3A_169 = arith.constant 11 : i32
        %shift_left3A_170 = vector.broadcast %shift_left3A_169 : i32 to vector<16xi32>
        %shift_left3A_171 = arith.shli %get3A_168, %shift_left3A_170 : vector<16xi32>
        %or3A_172 = arith.ori %shift_left3A_171, %sub3A_160 : vector<16xi32>
        %max3A_173 = arith.maxsi %max3A_157, %or3A_172 : vector<16xi32>
        %sub3A_174 = arith.constant 16 : i32
        %sub3A_175 = vector.broadcast %sub3A_174 : i32 to vector<16xi32>
        %sub3A_176 = arith.subi %sub3A_160, %sub3A_175 : vector<16xi32>
        %mul3A_177 = arith.constant 8 : i32
        %mul3A_178 = arith.muli %scan3A_113, %mul3A_177 : i32
        %add3A_179 = arith.constant 4 : i32
        %add3A_180 = arith.addi %mul3A_178, %add3A_179 : i32
        %mul3A_181 = arith.constant 16 : i32
        %mul3A_182 = arith.muli %add3A_180, %mul3A_181 : i32
        %get3A_183 = arith.index_cast %mul3A_182 : i32 to index
        %get3A_184 = tpu.vector_load %arg5[%get3A_183] {strides = array<i32>} : memref<2048xi32, #tpu.memory_space<vmem>>, vector<16xi32>,
        %shift_left3A_185 = arith.constant 11 : i32
        %shift_left3A_186 = vector.broadcast %shift_left3A_185 : i32 to vector<16xi32>
        %shift_left3A_187 = arith.shli %get3A_184, %shift_left3A_186 : vector<16xi32>
        %or3A_188 = arith.ori %shift_left3A_187, %sub3A_176 : vector<16xi32>
        %max3A_189 = arith.maxsi %max3A_173, %or3A_188 : vector<16xi32>
        %sub3A_190 = arith.constant 16 : i32
        %sub3A_191 = vector.broadcast %sub3A_190 : i32 to vector<16xi32>
        %sub3A_192 = arith.subi %sub3A_176, %sub3A_191 : vector<16xi32>
        %mul3A_193 = arith.constant 8 : i32
        %mul3A_194 = arith.muli %scan3A_113, %mul3A_193 : i32
        %add3A_195 = arith.constant 5 : i32
        %add3A_196 = arith.addi %mul3A_194, %add3A_195 : i32
        %mul3A_197 = arith.constant 16 : i32
        %mul3A_198 = arith.muli %add3A_196, %mul3A_197 : i32
        %get3A_199 = arith.index_cast %mul3A_198 : i32 to index
        %get3A_200 = tpu.vector_load %arg5[%get3A_199] {strides = array<i32>} : memref<2048xi32, #tpu.memory_space<vmem>>, vector<16xi32>,
        %shift_left3A_201 = arith.constant 11 : i32
        %shift_left3A_202 = vector.broadcast %shift_left3A_201 : i32 to vector<16xi32>
        %shift_left3A_203 = arith.shli %get3A_200, %shift_left3A_202 : vector<16xi32>
        %or3A_204 = arith.ori %shift_left3A_203, %sub3A_192 : vector<16xi32>
        %max3A_205 = arith.maxsi %max3A_189, %or3A_204 : vector<16xi32>
        %sub3A_206 = arith.constant 16 : i32
        %sub3A_207 = vector.broadcast %sub3A_206 : i32 to vector<16xi32>
        %sub3A_208 = arith.subi %sub3A_192, %sub3A_207 : vector<16xi32>
        %mul3A_209 = arith.constant 8 : i32
        %mul3A_210 = arith.muli %scan3A_113, %mul3A_209 : i32
        %add3A_211 = arith.constant 6 : i32
        %add3A_212 = arith.addi %mul3A_210, %add3A_211 : i32
        %mul3A_213 = arith.constant 16 : i32
        %mul3A_214 = arith.muli %add3A_212, %mul3A_213 : i32
        %get3A_215 = arith.index_cast %mul3A_214 : i32 to index
        %get3A_216 = tpu.vector_load %arg5[%get3A_215] {strides = array<i32>} : memref<2048xi32, #tpu.memory_space<vmem>>, vector<16xi32>,
        %shift_left3A_217 = arith.constant 11 : i32
        %shift_left3A_218 = vector.broadcast %shift_left3A_217 : i32 to vector<16xi32>
        %shift_left3A_219 = arith.shli %get3A_216, %shift_left3A_218 : vector<16xi32>
        %or3A_220 = arith.ori %shift_left3A_219, %sub3A_208 : vector<16xi32>
        %max3A_221 = arith.maxsi %max3A_205, %or3A_220 : vector<16xi32>
        %sub3A_222 = arith.constant 16 : i32
        %sub3A_223 = vector.broadcast %sub3A_222 : i32 to vector<16xi32>
        %sub3A_224 = arith.subi %sub3A_208, %sub3A_223 : vector<16xi32>
        %mul3A_225 = arith.constant 8 : i32
        %mul3A_226 = arith.muli %scan3A_113, %mul3A_225 : i32
        %add3A_227 = arith.constant 7 : i32
        %add3A_228 = arith.addi %mul3A_226, %add3A_227 : i32
        %mul3A_229 = arith.constant 16 : i32
        %mul3A_230 = arith.muli %add3A_228, %mul3A_229 : i32
        %get3A_231 = arith.index_cast %mul3A_230 : i32 to index
        %get3A_232 = tpu.vector_load %arg5[%get3A_231] {strides = array<i32>} : memref<2048xi32, #tpu.memory_space<vmem>>, vector<16xi32>,
        %shift_left3A_233 = arith.constant 11 : i32
        %shift_left3A_234 = vector.broadcast %shift_left3A_233 : i32 to vector<16xi32>
        %shift_left3A_235 = arith.shli %get3A_232, %shift_left3A_234 : vector<16xi32>
        %or3A_236 = arith.ori %shift_left3A_235, %sub3A_224 : vector<16xi32>
        %max3A_237 = arith.maxsi %max3A_221, %or3A_236 : vector<16xi32>
        %sub3A_238 = arith.constant 16 : i32
        %sub3A_239 = vector.broadcast %sub3A_238 : i32 to vector<16xi32>
        %sub3A_240 = arith.subi %sub3A_224, %sub3A_239 : vector<16xi32>
        scf.yield %max3A_237, %sub3A_240 : vector<16xi32>, vector<16xi32>
      }
      %scan3A_10 = arith.constant 16 : i32
      %reduce_max3A = arith.constant true
      %reduce_max3A_11 = vector.broadcast %reduce_max3A : i1 to vector<16xi1>
      %reduce_max3A_12 = arith.constant -2147483648 : i32
      %reduce_max3A_13 = vector.broadcast %reduce_max3A_12 : i32 to vector<16xi32>
      %reduce_max3A_14 = arith.xori %scan3A_9#0, %reduce_max3A_13 : vector<16xi32>
      %reduce_max3A_15 = tpu.scan <max>, %reduce_max3A_14 masked %reduce_max3A_11 : vector<16xi32>, vector<16xi1> -> vector<16xi32>
      %reduce_max3A_16 = arith.xori %reduce_max3A_15, %reduce_max3A_13 : vector<16xi32>
      %reduce_max3A_17 = vector.extract %reduce_max3A_16[15] : i32 from vector<16xi32>
      %and3A_18 = arith.constant 2047 : i32
      %and3A_19 = arith.andi %reduce_max3A_17, %and3A_18 : i32
      %sub3A_20 = arith.constant 2047 : i32
      %sub3A_21 = arith.subi %sub3A_20, %and3A_19 : i32
      %jit3A = arith.constant 128 : i32
      %div3A = arith.divsi %sub3A_21, %jit3A : i32
      %sign3A = arith.constant 0 : i32
      %sign3A_22 = arith.cmpi sgt, %sub3A_21, %sign3A : i32
      %sign3A_23 = arith.extui %sign3A_22 : i1 to i32
      %sign3A_24 = arith.constant 0 : i32
      %sign3A_25 = arith.cmpi slt, %sub3A_21, %sign3A_24 : i32
      %sign3A_26 = arith.extui %sign3A_25 : i1 to i32
      %sign3A_27 = arith.subi %sign3A_23, %sign3A_26 : i32
      %sign3A_28 = arith.constant 0 : i32
      %sign3A_29 = arith.cmpi sgt, %jit3A, %sign3A_28 : i32
      %sign3A_30 = arith.extui %sign3A_29 : i1 to i32
      %sign3A_31 = arith.constant 0 : i32
      %sign3A_32 = arith.cmpi slt, %jit3A, %sign3A_31 : i32
      %sign3A_33 = arith.extui %sign3A_32 : i1 to i32
      %sign3A_34 = arith.subi %sign3A_30, %sign3A_33 : i32
      %ne3A = arith.cmpi ne, %sign3A_27, %sign3A_34 : i32
      %rem3A = arith.remsi %sub3A_21, %jit3A : i32
      %ne3A_35 = arith.constant 0 : i32
      %ne3A_36 = arith.cmpi ne, %rem3A, %ne3A_35 : i32
      %and3A_37 = arith.andi %ne3A, %ne3A_36 : i1
      %sub3A_38 = arith.constant 1 : i32
      %sub3A_39 = arith.subi %div3A, %sub3A_38 : i32
      %select_n3A = arith.select %and3A_37, %sub3A_39, %div3A : i32
      %mul3A = arith.constant 128 : i32
      %mul3A_40 = arith.muli %select_n3A, %mul3A : i32
      "tpu.region"() ({
        %run_scoped3A = tpu.sem_alloc : memref<!tpu.dma_semaphore, #tpu.memory_space<semaphore_mem>>
        %dma_start3A = tpu.memref_slice %arg2[%arg1, %sub3A_21, %mul3A_40] : memref<4x2048x2048xf32, #tpu.memory_space<hbm>> -> memref<1x1x128xf32, #tpu.memory_space<hbm>>
        %dma_start3A_113 = tpu.memref_squeeze %dma_start3A : memref<1x1x128xf32, #tpu.memory_space<hbm>> -> memref<128xf32, #tpu.memory_space<hbm>>
        %dma_start3A_114 = tpu.memref_slice %arg2[%arg1, %sub3A_21, %mul3A_40] : memref<4x2048x2048xf32, #tpu.memory_space<hbm>> -> memref<1x1x128xf32, #tpu.memory_space<hbm>>
        %dma_start3A_115 = tpu.memref_squeeze %dma_start3A_114 : memref<1x1x128xf32, #tpu.memory_space<hbm>> -> memref<128xf32, #tpu.memory_space<hbm>>
        tpu.enqueue_dma source(%dma_start3A_115 : memref<128xf32, #tpu.memory_space<hbm>>) target(%arg6 : memref<128xf32, #tpu.memory_space<vmem>>) target_semaphore(%run_scoped3A : memref<!tpu.dma_semaphore, #tpu.memory_space<semaphore_mem>>)
        %dma_wait3A = tpu.memref_slice %arg2[%arg1, %sub3A_21, %mul3A_40] : memref<4x2048x2048xf32, #tpu.memory_space<hbm>> -> memref<1x1x128xf32, #tpu.memory_space<hbm>>
        %dma_wait3A_116 = tpu.memref_squeeze %dma_wait3A : memref<1x1x128xf32, #tpu.memory_space<hbm>> -> memref<128xf32, #tpu.memory_space<hbm>>
        %dma_wait3A_117 = tpu.memref_slice %arg2[%arg1, %sub3A_21, %mul3A_40] : memref<4x2048x2048xf32, #tpu.memory_space<hbm>> -> memref<1x1x128xf32, #tpu.memory_space<hbm>>
        %dma_wait3A_118 = tpu.memref_squeeze %dma_wait3A_117 : memref<1x1x128xf32, #tpu.memory_space<hbm>> -> memref<128xf32, #tpu.memory_space<hbm>>
        tpu.wait_dma2 semaphore(%run_scoped3A : memref<!tpu.dma_semaphore, #tpu.memory_space<semaphore_mem>>) src(%dma_wait3A_118 : memref<128xf32, #tpu.memory_space<hbm>>) dst(%arg6 : memref<128xf32, #tpu.memory_space<vmem>>)
        tpu.yield
      }) : () -> ()
      %jit3A_41 = arith.constant 128 : i32
      %eq3A_42 = arith.constant 0 : i32
      %eq3A_43 = arith.cmpi eq, %jit3A_41, %eq3A_42 : i32
      %jit3A_44 = arith.constant 1 : i32
      %select_n3A_45 = arith.select %eq3A_43, %jit3A_44, %jit3A_41 : i32
      %rem3A_46 = arith.remsi %sub3A_21, %select_n3A_45 : i32
      %ne3A_47 = arith.constant 0 : i32
      %ne3A_48 = arith.cmpi ne, %rem3A_46, %ne3A_47 : i32
      %lt3A_49 = arith.constant 0 : i32
      %lt3A_50 = arith.cmpi slt, %rem3A_46, %lt3A_49 : i32
      %lt3A_51 = arith.constant 0 : i32
      %lt3A_52 = arith.cmpi slt, %select_n3A_45, %lt3A_51 : i32
      %ne3A_53 = arith.xori %lt3A_50, %lt3A_52 : i1
      %and3A_54 = arith.andi %ne3A_53, %ne3A_48 : i1
      %add3A = arith.addi %rem3A_46, %select_n3A_45 : i32
      %select_n3A_55 = arith.select %and3A_54, %add3A, %rem3A_46 : i32
      %jit3A_56 = arith.constant 16 : i32
      %div3A_57 = arith.divsi %select_n3A_55, %jit3A_56 : i32
      %sign3A_58 = arith.constant 0 : i32
      %sign3A_59 = arith.cmpi sgt, %select_n3A_55, %sign3A_58 : i32
      %sign3A_60 = arith.extui %sign3A_59 : i1 to i32
      %sign3A_61 = arith.constant 0 : i32
      %sign3A_62 = arith.cmpi slt, %select_n3A_55, %sign3A_61 : i32
      %sign3A_63 = arith.extui %sign3A_62 : i1 to i32
      %sign3A_64 = arith.subi %sign3A_60, %sign3A_63 : i32
      %sign3A_65 = arith.constant 0 : i32
      %sign3A_66 = arith.cmpi sgt, %jit3A_56, %sign3A_65 : i32
      %sign3A_67 = arith.extui %sign3A_66 : i1 to i32
      %sign3A_68 = arith.constant 0 : i32
      %sign3A_69 = arith.cmpi slt, %jit3A_56, %sign3A_68 : i32
      %sign3A_70 = arith.extui %sign3A_69 : i1 to i32
      %sign3A_71 = arith.subi %sign3A_67, %sign3A_70 : i32
      %ne3A_72 = arith.cmpi ne, %sign3A_64, %sign3A_71 : i32
      %rem3A_73 = arith.remsi %select_n3A_55, %jit3A_56 : i32
      %ne3A_74 = arith.constant 0 : i32
      %ne3A_75 = arith.cmpi ne, %rem3A_73, %ne3A_74 : i32
      %and3A_76 = arith.andi %ne3A_72, %ne3A_75 : i1
      %sub3A_77 = arith.constant 1 : i32
      %sub3A_78 = arith.subi %div3A_57, %sub3A_77 : i32
      %select_n3A_79 = arith.select %and3A_76, %sub3A_78, %div3A_57 : i32
      %mul3A_80 = arith.constant 16 : i32
      %mul3A_81 = arith.muli %select_n3A_79, %mul3A_80 : i32
      %jit3A_82 = arith.constant 16 : i32
      %eq3A_83 = arith.constant 0 : i32
      %eq3A_84 = arith.cmpi eq, %jit3A_82, %eq3A_83 : i32
      %jit3A_85 = arith.constant 1 : i32
      %select_n3A_86 = arith.select %eq3A_84, %jit3A_85, %jit3A_82 : i32
      %rem3A_87 = arith.remsi %sub3A_21, %select_n3A_86 : i32
      %ne3A_88 = arith.constant 0 : i32
      %ne3A_89 = arith.cmpi ne, %rem3A_87, %ne3A_88 : i32
      %lt3A_90 = arith.constant 0 : i32
      %lt3A_91 = arith.cmpi slt, %rem3A_87, %lt3A_90 : i32
      %lt3A_92 = arith.constant 0 : i32
      %lt3A_93 = arith.cmpi slt, %select_n3A_86, %lt3A_92 : i32
      %ne3A_94 = arith.xori %lt3A_91, %lt3A_93 : i1
      %and3A_95 = arith.andi %ne3A_94, %ne3A_89 : i1
      %add3A_96 = arith.addi %rem3A_87, %select_n3A_86 : i32
      %select_n3A_97 = arith.select %and3A_95, %add3A_96, %rem3A_87 : i32
      %get3A = arith.index_cast %mul3A_81 : i32 to index
      %get3A_98 = tpu.vector_load %arg6[%get3A] {strides = array<i32>} : memref<128xf32, #tpu.memory_space<vmem>>, vector<16xf32>,
      %eq3A_99 = vector.broadcast %select_n3A_97 : i32 to vector<16xi32>
      %eq3A_100 = arith.cmpi eq, %iota3A, %eq3A_99 : vector<16xi32>
      %jit3A_101 = arith.constant 0.000000e+00 : f32
      %broadcast_in_dim3A_102 = vector.broadcast %jit3A_101 : f32 to vector<16xf32>
      %select_n3A_103 = arith.select %eq3A_100, %get3A_98, %broadcast_in_dim3A_102 : vector<16xi1>, vector<16xf32>
      %reduce_sum3A = arith.constant true
      %reduce_sum3A_104 = vector.broadcast %reduce_sum3A : i1 to vector<16xi1>
      %reduce_sum3A_105 = tpu.scan <sum>, %select_n3A_103 masked %reduce_sum3A_104 : vector<16xf32>, vector<16xi1> -> vector<16xf32>
      %reduce_sum3A_106 = vector.extract %reduce_sum3A_105[15] : f32 from vector<16xf32>
      %broadcast_in_dim3A_107 = arith.constant 0.000000e+00 : f32
      %broadcast_in_dim3A_108 = vector.broadcast %broadcast_in_dim3A_107 : f32 to vector<16xf32>
      %mul3A_109 = arith.mulf %reduce_sum3A_106, %reduce_sum3A_106 : f32
      %add3A_110 = vector.broadcast %mul3A_109 : f32 to vector<16xf32>
      %add3A_111 = arith.addf %broadcast_in_dim3A_108, %add3A_110 : vector<16xf32>
      %swap3A = arith.constant 0 : index
      %swap3A_112 = tpu.vector_load %arg7[%swap3A] {strides = array<i32>} : memref<16xf32, #tpu.memory_space<vmem>>, vector<16xf32>,
      tpu.vector_store %arg7[%swap3A], %add3A_111 {strides = array<i32>} : memref<16xf32, #tpu.memory_space<vmem>>, vector<16xf32>,
      "tpu.region"() ({
        %run_scoped3A = tpu.sem_alloc : memref<!tpu.dma_semaphore, #tpu.memory_space<semaphore_mem>>
        %dma_start3A = arith.constant 0 : i32
        %dma_start3A_113 = tpu.memref_slice %arg4[%arg1, %dma_start3A] : memref<4x16xf32, #tpu.memory_space<hbm>> -> memref<1x16xf32, #tpu.memory_space<hbm>>
        %dma_start3A_114 = tpu.memref_squeeze %dma_start3A_113 : memref<1x16xf32, #tpu.memory_space<hbm>> -> memref<16xf32, #tpu.memory_space<hbm>>
        %dma_start3A_115 = arith.constant 0 : i32
        %dma_start3A_116 = tpu.memref_slice %arg4[%arg1, %dma_start3A_115] : memref<4x16xf32, #tpu.memory_space<hbm>> -> memref<1x16xf32, #tpu.memory_space<hbm>>
        %dma_start3A_117 = tpu.memref_squeeze %dma_start3A_116 : memref<1x16xf32, #tpu.memory_space<hbm>> -> memref<16xf32, #tpu.memory_space<hbm>>
        tpu.enqueue_dma source(%arg7 : memref<16xf32, #tpu.memory_space<vmem>>) target(%dma_start3A_117 : memref<16xf32, #tpu.memory_space<hbm>>) target_semaphore(%run_scoped3A : memref<!tpu.dma_semaphore, #tpu.memory_space<semaphore_mem>>)
        %dma_wait3A = arith.constant 0 : i32
        %dma_wait3A_118 = tpu.memref_slice %arg4[%arg1, %dma_wait3A] : memref<4x16xf32, #tpu.memory_space<hbm>> -> memref<1x16xf32, #tpu.memory_space<hbm>>
        %dma_wait3A_119 = tpu.memref_squeeze %dma_wait3A_118 : memref<1x16xf32, #tpu.memory_space<hbm>> -> memref<16xf32, #tpu.memory_space<hbm>>
        %dma_wait3A_120 = arith.constant 0 : i32
        %dma_wait3A_121 = tpu.memref_slice %arg4[%arg1, %dma_wait3A_120] : memref<4x16xf32, #tpu.memory_space<hbm>> -> memref<1x16xf32, #tpu.memory_space<hbm>>
        %dma_wait3A_122 = tpu.memref_squeeze %dma_wait3A_121 : memref<1x16xf32, #tpu.memory_space<hbm>> -> memref<16xf32, #tpu.memory_space<hbm>>
        tpu.wait_dma2 semaphore(%run_scoped3A : memref<!tpu.dma_semaphore, #tpu.memory_space<semaphore_mem>>) src(%arg7 : memref<16xf32, #tpu.memory_space<vmem>>) dst(%dma_wait3A_122 : memref<16xf32, #tpu.memory_space<hbm>>)
        tpu.yield
      }) : () -> ()
    } else {
    }
    return
  }
}

</mosaic_0001>

<sc_bundles>
// kernel: kernel.3.cloned.1.call-start
scs
__scs_entry_jumppad:
0x0: {  	(pc) =	sbr.rel $0x88, $3  }
0x1: {  	(tag) =	ssettag $0x0;
	lr =	simm.s32 $0x1  }
0x2: {  	[smem:$0x3F9F] =	sst lr;
	_ =	strace $0xD0000000  }
0x3: {  	_ = 	snop  }
0x4: {  	_ = 	snop  }
0x5: {  	_ = 	snop  }
0x6: {  	_ = 	snop  }
0x7: {  	_ = 	snop  }
__scs_overlays_trampoline_lowered:
0x8: {  	[smem:$0x3FAE] =	sst s0  }
0x9: {  	[smem:$0x3FAF] =	sst s1  }
0xa: {  	[smem:$0x3FB0] =	sst s2  }
0xb: {  	[smem:$0x3FB1] =	sst s3  }
0xc: {  	[smem:$0x3FB2] =	sst s4  }
0xd: {  	[smem:$0x3FB3] =	sst s5  }
0xe: {  	[smem:$0x3FB4] =	sst s6  }
0xf: {  	[smem:$0x3FB5] =	sst s7  }
0x10: {  	[smem:$0x3FB6] =	sst s8  }
0x11: {  	[smem:$0x3FB7] =	sst s9;
	s0 =	simm.s32 @!p0 $0x0  }
0x12: {  	s1 =	sld [smem:$0x3F9D];
	s0 =	simm.s32 @p0 $0x1  }
0x13: {  	[smem:$0x3FB8] =	sst s0;
	s0 =	simm.s32 @!p1 $0x0  }
0x14: {  	s2 =	sld [smem:$0x3F9C];
	s0 =	simm.s32 @p1 $0x1  }
0x15: {  	[smem:$0x3FB9] =	sst s0;
	s0 =	simm.s32 @!p2 $0x0  }
0x16: {  	s3 =	sld [smem:$0x3FDB];
	s0 =	simm.s32 @p2 $0x1  }
0x17: {  	s4 =	simm.s32 $0x1BF5;
	[smem:$0x3FBB] =	sst s0  }
0x18: {  	s0 =	sld [smem:$0x3F9E];
	_ =	swait.ge [sflag:s4], $0x0  }
0x19: {  	s7 =	sld [smem:$0x3F9F]  }
0x1a: {  	s8 =	sadd.s32 $0xFFFFE003, lr  }
0x1b: {  	s9 =	sadd.s32 $0xFFFFFEF7, lr;
	s5 =	simm.s32 $0xFFFFFFFF;
	p2 =	slt.u32 s8, $0xFFFFF086  }
0x1c: {  	p1 =	slt.u32 s9, $0xF7A;
	s5 =	simm.s32 @!p2 $0x0  }
0x1d: {  	s5 =	simm.s32 @p1 $0x1;
	p0 =	seq.s32 s7, s2  }
0x1e: {  	s7 =	smul.u32 @!p0 $0xF7A, s2;
	p2 =	seq.s32 @!p0 s5, $0x0  }
0x1f: {  	s9 =	smul.u32 $0xF7A, s1;
	s8 =	simm.s32 @!p0 $0x1BF5;
	p2 =	por !p2, p0  }
0x20: {  	[sflag:s8] =	ssyncset.s32 @!p0 $0xFFFFF086;
	s6 =	sadd.s32 @!p0 s3, s7;
	s7 =	simm.s32 @!p0 $0x108  }
0x21: {  	s3 =	sadd.s32 s3, s9;
	s6 =	sadd.s32 @!p0 $0x88, s6;
	s7 =	simm.s32 @p2 $0x1082  }
0x22: {  	[simem:s7], [sflag:s8] =	dma.local @!p0 [hbm:s6], $0xF7A  }
0x23: {  	s9 =	sor.u32 $0xD0000000, s2;
	s6 =	simm.s32 $0x108;
	_ =	swait.ge @!p0 [sflag:s8], $0x0  }
0x24: {  	s3 =	sadd.s32 $0x88, s3;
	s6 =	simm.s32 @!p1 $0x1082;
	[sflag:s4] =	ssyncset.s32 $0xFFFFF086  }
0x25: {  	[simem:s6], [sflag:s4] =	dma.local [hbm:s3], $0xF7A  }
0x26: {  	[smem:$0x3F9F] =	sst s1;
	(tag) =	ssettag s2;
	_ =	strace s9  }
0x27: {  	s1 =	sld [smem:$0x3FAF]  }
0x28: {  	s2 =	sld [smem:$0x3FB0]  }
0x29: {  	s4 =	sld [smem:$0x3FB2]  }
0x2a: {  	p0 =	seq.s32 s5, $0x0;
	s5 =	sld [smem:$0x3FB3]  }
0x2b: {  	s6 =	sld [smem:$0x3FB4]  }
0x2c: {  	s7 =	sld [smem:$0x3FB5]  }
0x2d: {  	s3 =	simm.s32 $0x108;
	s8 =	sld [smem:$0x3FB6]  }
0x2e: {  	s3 =	simm.s32 @!p0 $0x1082;
	s9 =	sld [smem:$0x3FB7]  }
0x2f: {  	lr =	sadd.s32 s0, s3;
	s0 =	sld [smem:$0x3FAE]  }
0x30: {  	s3 =	sld [smem:$0x3FB1]  }
0x31: {  	[smem:$0x3FBA] =	sst s10  }
0x32: {  	s10 =	sld [smem:$0x3FB8];
	_ =	sdelay $0x3  }
0x33: {  	p0 =	seq.s32 s10, $0x1;
	s10 =	sld [smem:$0x3FBA];
	_ =	sdelay $0x3  }
0x34: {  	[smem:$0x3FBA] =	sst s10  }
0x35: {  	s10 =	sld [smem:$0x3FB9];
	_ =	sdelay $0x3  }
0x36: {  	p1 =	seq.s32 s10, $0x1;
	s10 =	sld [smem:$0x3FBA];
	_ =	sdelay $0x3  }
0x37: {  	[smem:$0x3FBA] =	sst s10  }
0x38: {  	s10 =	sld [smem:$0x3FBB]  }
0x39: {  	_ = 	snop;
	(pc) =	sbr.ind lr, $3  }
0x3a: {  	_ = 	snop  }
0x3b: {  	_ = 	snop  }
0x3c: {  	p2 =	seq.s32 s10, $0x1;
	s10 =	sld [smem:$0x3FBA]  }
0x3d: {  	_ =	shalt  }
0x3e: {  	_ =	shalt  }
0x3f: {  	_ =	shalt  }
0x40: {  	_ =	shalt  }
0x41: {  	_ =	shalt  }
0x42: {  	_ =	shalt  }
0x43: {  	_ =	shalt  }
0x44: {  	_ =	shalt  }
0x45: {  	_ =	shalt  }
0x46: {  	_ =	shalt  }
0x47: {  	_ =	shalt  }
0x48: {  	_ =	shalt  }
0x49: {  	_ =	shalt  }
0x4a: {  	_ =	shalt  }
0x4b: {  	_ =	shalt  }
0x4c: {  	_ =	shalt  }
0x4d: {  	_ =	shalt  }
0x4e: {  	_ =	shalt  }
0x4f: {  	_ =	shalt  }
0x50: {  	_ =	shalt  }
0x51: {  	_ =	shalt  }
0x52: {  	_ =	shalt  }
0x53: {  	_ =	shalt  }
0x54: {  	_ =	shalt  }
0x55: {  	_ =	shalt  }
0x56: {  	_ =	shalt  }
0x57: {  	_ =	shalt  }
0x58: {  	_ =	shalt  }
0x59: {  	_ =	shalt  }
0x5a: {  	_ =	shalt  }
0x5b: {  	_ =	shalt  }
0x5c: {  	_ =	shalt  }
0x5d: {  	_ =	shalt  }
0x5e: {  	_ =	shalt  }
0x5f: {  	_ =	shalt  }
0x60: {  	_ =	shalt  }
0x61: {  	_ =	shalt  }
0x62: {  	_ =	shalt  }
0x63: {  	_ =	shalt  }
0x64: {  	_ =	shalt  }
0x65: {  	_ =	shalt  }
0x66: {  	_ =	shalt  }
0x67: {  	_ =	shalt  }
0x68: {  	_ =	shalt  }
0x69: {  	_ =	shalt  }
0x6a: {  	_ =	shalt  }
0x6b: {  	_ =	shalt  }
0x6c: {  	_ =	shalt  }
0x6d: {  	_ =	shalt  }
0x6e: {  	_ =	shalt  }
0x6f: {  	_ =	shalt  }
0x70: {  	_ =	shalt  }
0x71: {  	_ =	shalt  }
0x72: {  	_ =	shalt  }
0x73: {  	_ =	shalt  }
0x74: {  	_ =	shalt  }
0x75: {  	_ =	shalt  }
0x76: {  	_ =	shalt  }
0x77: {  	_ =	shalt  }
0x78: {  	_ =	shalt  }
0x79: {  	_ =	shalt  }
0x7a: {  	_ =	shalt  }
0x7b: {  	_ =	shalt  }
0x7c: {  	_ =	shalt  }
0x7d: {  	_ =	shalt  }
0x7e: {  	_ =	shalt  }
0x7f: {  	_ =	shalt  }
0x80: {  	_ =	shalt  }
0x81: {  	_ =	shalt  }
0x82: {  	_ =	shalt  }
0x83: {  	_ =	shalt  }
0x84: {  	_ =	shalt  }
0x85: {  	_ =	shalt  }
0x86: {  	_ =	shalt  }
0x87: {  	_ =	shalt  }
.Lfunc_end0:
.L_simem_size_0:
called_computation_lowered:
.L_overlay_start_0:
0x88: {  	s0 =	sld [smem:$0x3FD9]  }
0x89: {  	s1 =	sld [smem:$0x3FFE];
	_ =	sdelay $0x3  }
0x8a: {  	s0 =	sadd.s32 s1, s0  }
0x8b: {  	[smem:$0x3FC6] =	sst s0  }
0x8c: {  	_ = 	snop  }
0x8d: {  	s0 =	sld [smem:$0x3FC9]  }
0x8e: {  	s16 =	sld [smem:$0x3FC8];
	(tm) =	ssettm $0x1  }
0x8f: {  	s2 =	sld [smem:$0x3FFB];
	_ =	sdelay $0x3  }
0x90: {  	_ =	strace s2  }
0x91: {  	s2 =	sld [smem:$0x3FFC];
	_ =	sdelay $0x3  }
0x92: {  	_ =	strace s2  }
0x93: {  	s2 =	sld [smem:$0x3FFD];
	_ =	sdelay $0x3  }
0x94: {  	_ =	strace s2  }
0x95: {  	_ =	strace $0x8FFFFFFF  }
0x96: {  	s17 =	sld [smem:$0x3FDB];
	_ =	sdelay $0x1  }
0x97: {  	s3 =	simm.s32 $_scs_section_size  }
0x98: {  	s4 =	simm.s32 $_size__tile_overlayer_lowered;
	s5 =	simm.s32 $_tile_overlayer_lowered  }
0x99: {  	s20 =	simm.s32 $0x1BFF;
	s19 =	sshll.u32 s5, $0x1;
	s2 =	sadd.s32 s3, s17  }
0x9a: {  	s6 =	simm.s32 $0x0;
	s18 =	sshll.u32 s4, $0x1;
	s4 =	sadd.s32 s19, s2  }
0x9b: {  	[timem:s6], [sflag:s20] =	dma.local [hbm:s4], s18  }
0x9c: {  	_ =	swait.ge [sflag:s20], s18  }
0x9d: {  	s3 =	ssub.s32 $0x0, s18;
	[sflag:s20] =	ssyncset.done $0x0  }
0x9e: {  	[sflag:s20] =	ssyncadd.s32 s3;
	_ =	sdelay $0x1  }
0x9f: {  	s21 =	simm.s32 $0x1B8B  }
0xa0: {  	_ =	swait.ge [sflag:s21], $0x1  }
0xa1: {  	[sflag:s21] =	ssyncset.done $0x0  }
0xa2: {  	s23 =	simm.s32 $0x1B8E;
	s22 =	sld [smem:$0x3FFE];
	[sflag:s21] =	ssyncadd.s32 $0xFFFFFFFF  }
0xa3: {  	s24 =	simm.s32 $execute0_lowered;
	[smem:$0x3FD2] =	sst s23  }
0xa4: {  	s4 =	sshll.u32 s24, $0x1;
	_ =	strace $0x80000046;
	[dreg:$0x1] =	wrdreg $0xFFFFFFFF  }
0xa5: {  	s25 =	simm.s32 $_size_execute0_lowered;
	s2 =	sadd.s32 s2, s4;
	[dreg:$0x0] =	wrdreg $0x0  }
0xa6: {  	s4 =	sshll.u32 s25, $0x1;
	[dreg:$0x2] =	wrdreg s2  }
0xa7: {  	[dreg:$0x3] =	wrdreg s4  }
0xa8: {  	[dreg:$0x4] =	wrdreg $0xC0  }
0xa9: {  	_ =	task [dreg:s6], $0x5FFFF  }
0xaa: {  	[dreg:$0x1] =	wrdreg $0xFFFFFFFF  }
0xab: {  	[dreg:$0x0] =	wrdreg $0x60  }
0xac: {  	[dreg:$0x2] =	wrdreg s0  }
0xad: {  	[dreg:$0x3] =	wrdreg s16  }
0xae: {  	[dreg:$0x4] =	wrdreg s22  }
0xaf: {  	[dreg:$0x5] =	wrdreg $0x9  }
0xb0: {  	_ =	task.clear_ibuf [dreg:s6], $0x6FFFF;
	_ =	strace $0x90000046  }
0xb1: {  	s26 =	simm.s32 $0x9;
	_ =	strace $0x80000048  }
0xb2: {  	_ =	swait.ge [sflag:s26], $0x1  }
0xb3: {  	[sflag:s26] =	ssyncadd.s32 $0xFFFFFFFF  }
0xb4: {  	_ =	strace $0x90000048  }
0xb5: {  	_ =	sfence  }
0xb6: {  	s28 =	sld [smem:$0x0];
	_ =	sdelay $0x1  }
0xb7: {  	s29 =	srdreg.scid  }
0xb8: {  	s30 =	sshll.u32 s29, $0xD;
	s31 =	sshrl.u32 s29, $0x2  }
0xb9: {  	s1 =	sand.u32 $0x1, s29;
	s2 =	sand.u32 $0x4000, s30;
	s0 =	sadd.s32 s31, s28  }
0xba: {  	s1 =	sor.u32 s2, s1;
	s0 =	sshll.u32 s0, $0x11  }
0xbb: {  	s0 =	sor.u32 s0, s1  }
0xbc: {  	s0 =	sadd.s32 $0x8F2B, s0  }
0xbd: {  	[sflag:s0] =	ssyncadd.remote.s32 $0x1  }
0xbe: {  	_ =	sfence.sel $0xFFFF  }
0xbf: {  	[dreg:$0x0] =	wrdreg $0xFFFFFFFF;
	(pc) =	sbr.abs _section_cstart, $3  }
0xc0: {  	[dreg:$0x1] =	wrdreg $0xFFFFFFFF  }
0xc1: {  	_ =	task.clear_ibuf [dreg:s6], $0x2FFFF;
	_ =	strace $0x9FFFFFFF  }
0xc2: {  	(tm) =	ssettm $0x7FFFFFFF  }
0xc3: {  	_ =	shalt  }
tec
execute0_lowered:
.L_overlay_start_1:
0x0: {  	(tag) =	ssettag $0x1  }
0x1: {  	s1 =	stileid.u32  }
0x2: {  	p0 =	sgt.u32 s1, $0x3  }
.Ltmp0:
0x3: {  	s3 =	rddreg [dreg:$0x0];
	(pc) =	sbr.rel @p0 .LBB2_4-.Ltmp0, $4  }
0x4: {  	s4 =	rddreg [dreg:$0x1]  }
0x5: {  	s2 =	rddreg [dreg:$0x2];
	s5 =	simm.s32 $0x0  }
0x6: {  	[smem:$0x7FF] =	sst s5  }
0x7: {  	s0 =	rddreg [dreg:$0x3];
	_ =	strace $0x80000047  }
0x8: {  	s6 =	sshll.u32 s1, $0x4;
	s7 =	simm.s32 $0x80  }
0x9: {  	s8 =	simm.s32 $0x200;
	s29 =	simm.s32 $0x1;
	s4 =	sadd.s32 s4, s6  }
0xa: {  	[tilespmem:s5], [sflag:$0x1] =	stream.strided.gather [hbm4b:s4+s7], $0x800, s8, s7, $0x38;
	[tilespmem:$0x900] =	vst v63  }
0xb: {  	_ =	swait.ge [sflag:s29], $0x800  }
0xc: {  	[sflag:s29] =	ssyncset.done $0x0  }
0xd: {  	s30 =	simm.s32 $0x0;
	[sflag:s29] =	ssyncadd.s32 $0xFFFFF800  }
0xe: {  	v1 =	vld [tilespmem:s30+$0x0];
	_ =	sdelay $0x1  }
0xf: {  	v0 =	vlaneseq.u32;
	v2 =	vld [tilespmem:s30+$0x10]  }
0x10: {  	v0 =	vmul.u32 $0xFFFFFFFF, v0  }
0x11: {  	v3 =	vld [tilespmem:s30+$0x20]  }
0x12: {  	v0 =	vadd.s32 $0x7FF, v0;
	v1 =	vshll.u32 v1, $0xB  }
0x13: {  	v4 =	vimm.s32 $0x80000000;
	v5 =	vld [tilespmem:s30+$0x30];
	v1 =	vor.u32 v0, v1  }
0x14: {  	v6 =	vadd.s32 $0xFFFFFFF0, v0;
	v2 =	vshll.u32 v2, $0xB;
	vm0 =	vgt.s32 v4, v1  }
0x15: {  	v2 =	vor.u32 v6, v2;
	v1 =	vsel vm0, v4, v1;
	v4 =	vld [tilespmem:s30+$0x40]  }
0x16: {  	v3 =	vshll.u32 v3, $0xB;
	v6 =	vadd.s32 $0xFFFFFFE0, v0;
	vm0 =	vgt.s32 v1, v2  }
0x17: {  	v1 =	vsel vm0, v1, v2;
	v2 =	vor.u32 v6, v3;
	v6 =	vld [tilespmem:s30+$0x50]  }
0x18: {  	v5 =	vshll.u32 v5, $0xB;
	v3 =	vadd.s32 $0xFFFFFFD0, v0;
	vm0 =	vgt.s32 v1, v2  }
0x19: {  	v3 =	vor.u32 v3, v5;
	v1 =	vsel vm0, v1, v2;
	v2 =	vld [tilespmem:s30+$0x60]  }
0x1a: {  	s31 =	sshll.u32 s1, $0x13;
	v5 =	vadd.s32 $0xFFFFFFC0, v0;
	vm0 =	vgt.s32 v1, v3;
	v4 =	vshll.u32 v4, $0xB  }
0x1b: {  	s3 =	sadd.s32 s3, s31;
	v3 =	vsel vm0, v1, v3;
	v4 =	vor.u32 v5, v4;
	v1 =	vld [tilespmem:s30+$0x70]  }
0x1c: {  	s2 =	sadd.s32 s2, s6;
	s4 =	simm.s32 $0x80;
	s5 =	simm.s32 $0x400;
	v5 =	vadd.s32 $0xFFFFFFB0, v0;
	vm0 =	vgt.s32 v3, v4;
	v6 =	vshll.u32 v6, $0xB  }
.LBB2_2:
0x1d: {  	p0 =	sne.s32 s5, $0x1E00;
	v7 =	vld [tilespmem:s4+$0x0];
	v3 =	vsel vm0, v3, v4;
	v4 =	vor.u32 v5, v6  }
0x1e: {  	v5 =	vadd.s32 $0xFFFFFFA0, v0;
	vm0 =	vgt.s32 v3, v4;
	v2 =	vshll.u32 v2, $0xB  }
0x1f: {  	v6 =	vld [tilespmem:s4+$0x10];
	v3 =	vsel vm0, v3, v4;
	v2 =	vor.u32 v5, v2  }
0x20: {  	v4 =	vadd.s32 $0xFFFFFF90, v0;
	vm0 =	vgt.s32 v3, v2;
	v1 =	vshll.u32 v1, $0xB  }
0x21: {  	v5 =	vld [tilespmem:s4+$0x20];
	v2 =	vsel vm0, v3, v2;
	v1 =	vor.u32 v4, v1  }
0x22: {  	v0 =	vadd.s32 $0xFFFFFF80, v0;
	v3 =	vshll.u32 v7, $0xB;
	vm0 =	vgt.s32 v2, v1  }
0x23: {  	v3 =	vor.u32 v0, v3;
	v4 =	vld [tilespmem:s4+$0x30];
	v1 =	vsel vm0, v2, v1  }
0x24: {  	v2 =	vadd.s32 $0xFFFFFFF0, v0;
	vm0 =	vgt.s32 v1, v3;
	v6 =	vshll.u32 v6, $0xB  }
0x25: {  	v1 =	vsel vm0, v1, v3;
	v2 =	vor.u32 v2, v6;
	v3 =	vld [tilespmem:s4+$0x40]  }
0x26: {  	v6 =	vadd.s32 $0xFFFFFFE0, v0;
	vm0 =	vgt.s32 v1, v2;
	v5 =	vshll.u32 v5, $0xB  }
0x27: {  	v1 =	vsel vm0, v1, v2;
	v2 =	vor.u32 v6, v5;
	v6 =	vld [tilespmem:s4+$0x50]  }
.Ltmp1:
0x28: {  	v5 =	vadd.s32 $0xFFFFFFD0, v0;
	vm0 =	vgt.s32 v1, v2;
	v4 =	vshll.u32 v4, $0xB;
	(pc) =	sbr.rel @p0 .LBB2_2-.Ltmp1, $4  }
0x29: {  	v1 =	vsel vm0, v1, v2;
	v4 =	vor.u32 v5, v4;
	v2 =	vld [tilespmem:s4+$0x60]  }
0x2a: {  	v5 =	vadd.s32 $0xFFFFFFC0, v0;
	vm0 =	vgt.s32 v1, v4;
	v7 =	vshll.u32 v3, $0xB  }
0x2b: {  	v3 =	vsel vm0, v1, v4;
	v4 =	vor.u32 v5, v7;
	v1 =	vld [tilespmem:s4+$0x70]  }
0x2c: {  	s4 =	sshra.s32 s5, $0x2;
	s5 =	sadd.s32 $0x200, s5;
	v5 =	vadd.s32 $0xFFFFFFB0, v0;
	vm0 =	vgt.s32 v3, v4;
	v6 =	vshll.u32 v6, $0xB  }
0x2d: {  	v7 =	vld [tilespmem:s4+$0x0];
	v3 =	vsel vm0, v3, v4;
	v37 =	vor.u32 v5, v6  }
0x2e: {  	v38 =	vadd.s32 $0xFFFFFFA0, v0;
	vm0 =	vgt.s32 v3, v37;
	v2 =	vshll.u32 v2, $0xB  }
0x2f: {  	v39 =	vld [tilespmem:s4+$0x10];
	v3 =	vsel vm0, v3, v37;
	v2 =	vor.u32 v38, v2  }
0x30: {  	v40 =	vadd.s32 $0xFFFFFF90, v0;
	vm0 =	vgt.s32 v3, v2;
	v1 =	vshll.u32 v1, $0xB  }
0x31: {  	v41 =	vld [tilespmem:s4+$0x20];
	v2 =	vsel vm0, v3, v2;
	v1 =	vor.u32 v40, v1  }
0x32: {  	v43 =	vadd.s32 $0xFFFFFF80, v0;
	v42 =	vshll.u32 v7, $0xB;
	vm0 =	vgt.s32 v2, v1  }
0x33: {  	v44 =	vld [tilespmem:s4+$0x30];
	v3 =	vor.u32 v43, v42;
	v1 =	vsel vm0, v2, v1  }
0x34: {  	v45 =	vadd.s32 $0xFFFFFFF0, v43;
	v6 =	vshll.u32 v39, $0xB;
	vm0 =	vgt.s32 v1, v3  }
0x35: {  	v46 =	vld [tilespmem:s4+$0x40];
	v2 =	vor.u32 v45, v6;
	v1 =	vsel vm0, v1, v3  }
0x36: {  	v47 =	vadd.s32 $0xFFFFFFE0, v43;
	v5 =	vshll.u32 v41, $0xB;
	vm0 =	vgt.s32 v1, v2  }
0x37: {  	v49 =	vld [tilespmem:s4+$0x50];
	v48 =	vor.u32 v47, v5;
	v1 =	vsel vm0, v1, v2  }
0x38: {  	v50 =	vadd.s32 $0xFFFFFFD0, v43;
	v4 =	vshll.u32 v44, $0xB;
	vm0 =	vgt.s32 v1, v48  }
0x39: {  	v52 =	vld [tilespmem:s4+$0x60];
	v51 =	vor.u32 v50, v4;
	v1 =	vsel vm0, v1, v48  }
0x3a: {  	v53 =	vadd.s32 $0xFFFFFFC0, v43;
	v3 =	vshll.u32 v46, $0xB;
	vm0 =	vgt.s32 v1, v51  }
0x3b: {  	v55 =	vld [tilespmem:s4+$0x70];
	v54 =	vor.u32 v53, v3;
	v1 =	vsel vm0, v1, v51  }
0x3c: {  	v56 =	vadd.s32 $0xFFFFFFB0, v43;
	v5 =	vshll.u32 v49, $0xB;
	vm0 =	vgt.s32 v1, v54  }
0x3d: {  	v57 =	vor.u32 v56, v5;
	v1 =	vsel vm0, v1, v54  }
0x3e: {  	v58 =	vadd.s32 $0xFFFFFFA0, v43;
	v4 =	vshll.u32 v52, $0xB;
	vm0 =	vgt.s32 v1, v57  }
0x3f: {  	v59 =	vor.u32 v58, v4;
	v1 =	vsel vm0, v1, v57  }
0x40: {  	v0 =	vadd.s32 $0xFFFFFF90, v43;
	v3 =	vshll.u32 v55, $0xB;
	vm0 =	vgt.s32 v1, v59  }
0x41: {  	v0 =	vor.u32 v0, v3;
	v1 =	vsel vm0, v1, v59  }
0x42: {  	vm0 =	vgt.s32 v1, v0  }
0x43: {  	v0 =	vsel vm0, v1, v0  }
0x44: {  	v0 =	vxor.u32 $0x80000000, v0  }
0x45: {  	(xrf0) =	vmax.scan.msk.u32 $0xffff, v0;
	_ =	sdelay $0x5  }
0x46: {  	v0, _, _ =	vpop (xrf0)  }
0x47: {  	(v2sf) =	vpush v0, $0xF;
	_ =	sdelay $0xe  }
0x48: {  	s23 =	spop (v2sf)  }
0x49: {  	s4 =	sxor.u32 $0xFFFFFFFF, s23  }
0x4a: {  	s5 =	sshll.u32 s4, $0x8;
	s6 =	sand.u32 $0x780, s4  }
0x4b: {  	s7 =	sshll.u32 s4, $0x4;
	s5 =	sand.u32 $0x7F800, s5;
	s3 =	sadd.s32 s6, s3  }
0x4c: {  	s25 =	simm.s32 $0x0;
	s24 =	sand.u32 $0x70, s7;
	s3 =	sadd.s32 s5, s3  }
0x4d: {  	s26 =	simm.s32 $0x800;
	s28 =	simm.s32 $0x1;
	s3 =	sadd.s32 s24, s3  }
0x4e: {  	[tilespmem:s26], [sflag:$0x1] =	stream.linear.gather [hbm4b:s3+s25], $0x80, $0x38;
	[tilespmem:$0x900] =	vst v63  }
0x4f: {  	_ =	swait.ge [sflag:s28], $0x80  }
0x50: {  	[sflag:s28] =	ssyncset.done $0x0  }
0x51: {  	s29 =	sand.u32 $0x70, s4;
	[sflag:s28] =	ssyncadd.s32 $0xFFFFFF80  }
0x52: {  	v60 =	vld [tilespmem:s29+$0x800];
	_ =	sdelay $0x1  }
0x53: {  	s4 =	sand.u32 $0xF, s4  }
0x54: {  	v62 =	vlaneseq.u32;
	v61 =	vmov s4  }
0x55: {  	vm15 =	veq.s32 v61, v62  }
0x56: {  	v0 =	vnsel vm15, $0x0, v60  }
0x57: {  	(xrf2) =	vadd.scan.msk.f32 $0xffff, v0;
	_ =	sdelay $0x9  }
0x58: {  	v0, _, _ =	vpop (xrf2)  }
0x59: {  	(v2sf) =	vpush v0, $0xF;
	_ =	sdelay $0xe  }
0x5a: {  	s30 =	spop (v2sf)  }
0x5b: {  	s4 =	smul.f32 s30, s30;
	_ =	sdelay $0x1  }
0x5c: {  	v63 =	vmov s4  }
0x5d: {  	s31 =	simm.s32 $0x880;
	[tilespmem:$0x880] =	vst v63  }
0x5e: {  	[hbm4b:s2+s25] =	stream.linear.scatter [tilespmem:s31], [sflag:$0x1], $0x80, $0x38;
	[tilespmem:$0x900] =	vst v63  }
0x5f: {  	_ =	swait.ge [sflag:s28], $0x80  }
0x60: {  	[sflag:s28] =	ssyncset.done $0x0  }
0x61: {  	[sflag:s28] =	ssyncadd.s32 $0xFFFFFF80  }
.LBB2_4:
0x62: {  	_ =	sfence.sel $0x180000  }
0x63: {  	[bflag:$0x0] =	sbarrier.arrive $0xFFFF  }
0x64: {  	p0 =	sne.s32 s1, $0x0;
	_ =	strace $0x90000047  }
0x65: {  	s0 =	sadd.s32 @!p0 $0x100000, s0;
	[bflag:$0x2] =	sbarrier.arrive $0xFFFF  }
0x66: {  	[sflag:s0] =	ssyncadd.tile.s32 @!p0 $0x1;
	_ =	shalt  }
.Lfunc_end2:
_tile_overlayer_lowered:
.L_overlay_start_2:
0x67: {  	(tag) =	ssettag $0x2  }
0x68: {  	s0 =	rddreg [dreg:$0x0];
	s2 =	stileid.u32  }
0x69: {  	s1 =	rddreg [dreg:$0x1];
	p0 =	sne.s32 s2, $0x0  }
0x6a: {  	s3 =	rddreg [dreg:$0x2];
	[bflag:$0x3] =	sbarrier.arrive $0xFFFF;
	s2 =	simm.s32 @!p0 $0x1C01  }
0x6b: {  	[timem:s3], [sflag:s2] =	dma.local @!p0 [hbm:s0], s1  }
0x6c: {  	s0 =	simm.s32 @!p0 $0x1  }
0x6d: {  	_ =	swait.ge @!p0 [sflag:s0], s1  }
0x6e: {  	s1 =	ssub.s32 @!p0 $0x0, s1;
	[sflag:s0] =	ssyncset.done @!p0 $0x0  }
0x6f: {  	[sflag:s0] =	ssyncadd.s32 @!p0 s1  }
0x70: {  	[bflag:$0x3] =	sbarrier.arrive $0xFFFF  }
0x71: {  	_ =	shalt  }

</sc_bundles>
